<compile_context>
chip_gen: v7x
topology: tpu7x:2x2x1
jax: 0.10.2.dev20260603
libtpu: 0.0.44.dev20260713+nightly
codegen_flags: <defaults>
</compile_context>

<pallas_src>
import jax
import jax.numpy as jnp
from jax.experimental import pallas as pl

B = 65536
HW = 361
XROWS = B * HW // 128
OROWS = B * 3 * HW // 128
GB = 64
XR = XROWS // GB
OR_ = OROWS // GB


def _body(x_ref, o_ref):
    x = x_ref[...]
    e0 = (x == 0).astype(jnp.float32)
    e1 = (x == 1).astype(jnp.float32)
    e2 = (x == 2).astype(jnp.float32)
    o_ref[0 * XR:1 * XR, :] = e0
    o_ref[1 * XR:2 * XR, :] = e1
    o_ref[2 * XR:3 * XR, :] = e2


def kernel(x, pls):
    xf = x.reshape(XROWS, 128)
    out = pl.pallas_call(
        _body,
        grid=(GB,),
        in_specs=[pl.BlockSpec((XR, 128), lambda i: (i, 0))],
        out_specs=pl.BlockSpec((OR_, 128), lambda i: (i, 0)),
        out_shape=jax.ShapeDtypeStruct((OROWS, 128), jnp.float32),
    )(xf)
    return out.reshape(B, 3, 19, 19)

# --- scband reference (transcript-rebuilt; emitter-appended) ---
"""Pipeline reference for scband-board-to-tensor-38826504356237 (READ-ONLY COPY).

The authoritative reference and input builder live on the scoring server;
editing this copy changes nothing except your own understanding.
"""

import jax, jax.numpy as jnp
import numpy as np

def setup_inputs(seed: int = 0) -> dict:
    key = jax.random.key(seed)
    k1, k2 = jax.random.split(key)
    x = jax.random.randint(k1, (65536, 19, 19), 0, 3, dtype=jnp.int64) if jax.config.jax_enable_x64 else jax.random.randint(k1, (65536, 19, 19), 0, 3, dtype=jnp.int32)
    pls = jax.random.randint(k2, (65536,), 0, 2, dtype=jnp.int32)
    return {"x": x, "pls": pls}

def reference(x, pls):
    # mask = pls != 0 ; x[mask] = 1 - x[mask] (board-level masked overwrite, broadcast over H,W)
    mask = (pls != 0)[:, None, None]
    x = jnp.where(mask, 1 - x, x)
    # x[x < 0] = 2 (elementwise scatter-overwrite)
    x = jnp.where(x < 0, 2, x)
    # F.one_hot(x, 3).permute(0, 3, 1, 2).float()
    oh = jax.nn.one_hot(x, 3, dtype=jnp.float32)  # [B, H, W, 3]
    return jnp.transpose(oh, (0, 3, 1, 2))  # [B, 3, H, W]

if __name__ == "__main__":
    import jax
    _d = setup_inputs()
    print(jax.jit(kernel)(*tuple(_d.values())))

</pallas_src>

<mosaic_0001>
module attributes {stable_mosaic.version = 14 : i64} {
  func.func @_body(%arg0: i32, %arg1: memref<2888x128xi32, #tpu.memory_space<vmem>>, %arg2: memref<8664x128xf32, #tpu.memory_space<vmem>>) attributes {dimension_semantics = [#tpu.dimension_semantics<arbitrary>], iteration_bounds = array<i64: 64>, scalar_prefetch = 0 : i64, scratch_operands = 0 : i64, tpu.core_type = #tpu.core_type<tc>, window_params = [{transform_indices = @transform_0, window_bounds = array<i64: 2888, 128>}, {transform_indices = @transform_1, window_bounds = array<i64: 8664, 128>}]} {
    %get3A = arith.constant 0 : index
    %get3A_0 = arith.constant 0 : index
    %get3A_1 = vector.load %arg1[%get3A, %get3A_0] : memref<2888x128xi32, #tpu.memory_space<vmem>>, vector<2888x128xi32>
    %eq3A = arith.constant 0 : i32
    %eq3A_2 = vector.broadcast %eq3A : i32 to vector<2888x128xi32>
    %eq3A_3 = arith.cmpi eq, %get3A_1, %eq3A_2 : vector<2888x128xi32>
    %convert_element_type3A = arith.extui %eq3A_3 : vector<2888x128xi1> to vector<2888x128xi32>
    %convert_element_type3A_4 = arith.sitofp %convert_element_type3A : vector<2888x128xi32> to vector<2888x128xf32>
    %eq3A_5 = arith.constant 1 : i32
    %eq3A_6 = vector.broadcast %eq3A_5 : i32 to vector<2888x128xi32>
    %eq3A_7 = arith.cmpi eq, %get3A_1, %eq3A_6 : vector<2888x128xi32>
    %convert_element_type3A_8 = arith.extui %eq3A_7 : vector<2888x128xi1> to vector<2888x128xi32>
    %convert_element_type3A_9 = arith.sitofp %convert_element_type3A_8 : vector<2888x128xi32> to vector<2888x128xf32>
    %eq3A_10 = arith.constant 2 : i32
    %eq3A_11 = vector.broadcast %eq3A_10 : i32 to vector<2888x128xi32>
    %eq3A_12 = arith.cmpi eq, %get3A_1, %eq3A_11 : vector<2888x128xi32>
    %convert_element_type3A_13 = arith.extui %eq3A_12 : vector<2888x128xi1> to vector<2888x128xi32>
    %convert_element_type3A_14 = arith.sitofp %convert_element_type3A_13 : vector<2888x128xi32> to vector<2888x128xf32>
    %swap3A = arith.constant 0 : index
    %swap3A_15 = arith.constant 0 : index
    %swap3A_16 = vector.load %arg2[%swap3A, %swap3A_15] : memref<8664x128xf32, #tpu.memory_space<vmem>>, vector<2888x128xf32>
    tpu.vector_store %arg2[%swap3A, %swap3A_15], %convert_element_type3A_4 {strides = array<i32>} : memref<8664x128xf32, #tpu.memory_space<vmem>>, vector<2888x128xf32>,
    %swap3A_17 = arith.constant 2888 : index
    %swap3A_18 = arith.constant 0 : index
    %swap3A_19 = vector.load %arg2[%swap3A_17, %swap3A_18] : memref<8664x128xf32, #tpu.memory_space<vmem>>, vector<2888x128xf32>
    tpu.vector_store %arg2[%swap3A_17, %swap3A_18], %convert_element_type3A_9 {strides = array<i32>} : memref<8664x128xf32, #tpu.memory_space<vmem>>, vector<2888x128xf32>,
    %swap3A_20 = arith.constant 5776 : index
    %swap3A_21 = arith.constant 0 : index
    %swap3A_22 = vector.load %arg2[%swap3A_20, %swap3A_21] : memref<8664x128xf32, #tpu.memory_space<vmem>>, vector<2888x128xf32>
    tpu.vector_store %arg2[%swap3A_20, %swap3A_21], %convert_element_type3A_14 {strides = array<i32>} : memref<8664x128xf32, #tpu.memory_space<vmem>>, vector<2888x128xf32>,
    return
  }
  func.func @transform_0(%arg0: i32) -> (i32, i32) {
    %c0_i32 = arith.constant 0 : i32
    %c0_i32_0 = arith.constant 0 : i32
    return %arg0, %c0_i32 : i32, i32
  }
  func.func @transform_1(%arg0: i32) -> (i32, i32) {
    %c0_i32 = arith.constant 0 : i32
    %c0_i32_0 = arith.constant 0 : i32
    return %arg0, %c0_i32 : i32, i32
  }
}

</mosaic_0001>

<sc_bundles>
// kernel: sparse-core-data-format-call.cloned.1.call-start
scs
called_computation_lowered:
.L_overlay_start_0:
0x0: {  	s2 =	sld [smem:$0x3FD9]  }
0x1: {  	s3 =	sld [smem:$0x3FFE];
	_ =	sdelay $0x1  }
0x2: {  	s1 =	srdreg.scid  }
0x3: {  	s0 =	sand.u32 $0x1, s1  }
0x4: {  	s18 =	sshll.u32 s0, $0xA;
	s2 =	sadd.s32 s3, s2  }
0x5: {  	s2 =	sadd.s32 s2, s18  }
0x6: {  	[smem:$0x3FC7] =	sst s2  }
0x7: {  	_ = 	snop  }
0x8: {  	s2 =	sld [smem:$0x3FD0];
	(tm) =	ssettm $0x1  }
0x9: {  	s19 =	sld [smem:$0x3FFB];
	_ =	sdelay $0x3  }
0xa: {  	_ =	strace s19  }
0xb: {  	s3 =	sld [smem:$0x3FFC];
	_ =	sdelay $0x3  }
0xc: {  	_ =	strace s3  }
0xd: {  	s3 =	sld [smem:$0x3FFD];
	_ =	sdelay $0x3  }
0xe: {  	_ =	strace s3  }
0xf: {  	_ =	strace $0x8FFFFFFF  }
0x10: {  	s20 =	sld [smem:$0x3FDB];
	_ =	sdelay $0x1  }
0x11: {  	s4 =	simm.s32 $_scs_section_size  }
0x12: {  	s5 =	simm.s32 $_size__tile_overlayer_lowered;
	s6 =	simm.s32 $_tile_overlayer_lowered  }
0x13: {  	s23 =	simm.s32 $0x1BFF;
	s22 =	sshll.u32 s6, $0x1;
	s3 =	sadd.s32 s4, s20  }
0x14: {  	s7 =	simm.s32 $0x0;
	s21 =	sshll.u32 s5, $0x1;
	s5 =	sadd.s32 s22, s3  }
0x15: {  	[timem:s7], [sflag:s23] =	dma.local [hbm:s5], s21  }
0x16: {  	_ =	swait.ge [sflag:s23], s21  }
0x17: {  	s4 =	ssub.s32 $0x0, s21;
	[sflag:s23] =	ssyncset.done $0x0  }
0x18: {  	[sflag:s23] =	ssyncadd.s32 s4;
	_ =	sdelay $0x1  }
0x19: {  	s24 =	simm.s32 $0x1B8B  }
0x1a: {  	_ =	swait.ge [sflag:s24], $0x1  }
0x1b: {  	[sflag:s24] =	ssyncset.done $0x0  }
0x1c: {  	s26 =	simm.s32 $0x1B8E;
	s25 =	sld [smem:$0x3FFE];
	[sflag:s24] =	ssyncadd.s32 $0xFFFFFFFF  }
0x1d: {  	s27 =	simm.s32 $execute0_lowered;
	[smem:$0x3FD2] =	sst s26  }
0x1e: {  	s5 =	sshll.u32 s27, $0x1;
	_ =	strace $0x80000046;
	[dreg:$0x1] =	wrdreg $0xFFFFFFFF  }
0x1f: {  	s28 =	simm.s32 $_size_execute0_lowered;
	s3 =	sadd.s32 s3, s5;
	[dreg:$0x0] =	wrdreg $0x0  }
0x20: {  	s5 =	sshll.u32 s28, $0x1;
	[dreg:$0x2] =	wrdreg s3  }
0x21: {  	[dreg:$0x3] =	wrdreg s5  }
0x22: {  	[dreg:$0x4] =	wrdreg $0xC0  }
0x23: {  	_ =	task [dreg:s7], $0x5FFFF  }
0x24: {  	[dreg:$0x1] =	wrdreg $0xFFFFFFFF  }
0x25: {  	[dreg:$0x0] =	wrdreg $0x60  }
0x26: {  	[dreg:$0x2] =	wrdreg s25  }
0x27: {  	[dreg:$0x3] =	wrdreg s2  }
0x28: {  	[dreg:$0x4] =	wrdreg $0x9  }
0x29: {  	_ =	task.clear_ibuf [dreg:s7], $0x5FFFF;
	_ =	strace $0x90000046  }
0x2a: {  	s29 =	simm.s32 $0x9;
	_ =	strace $0x80000048  }
0x2b: {  	_ =	swait.ge [sflag:s29], $0x1  }
0x2c: {  	[sflag:s29] =	ssyncadd.s32 $0xFFFFFFFF  }
0x2d: {  	_ =	strace $0x90000048  }
0x2e: {  	_ =	sfence  }
0x2f: {  	s30 =	sld [smem:$0x0];
	_ =	sdelay $0x2  }
0x30: {  	s31 =	sshll.u32 s1, $0xD;
	s1 =	sshrl.u32 s1, $0x2  }
0x31: {  	s3 =	sand.u32 $0x4000, s31;
	s1 =	sadd.s32 s1, s30  }
0x32: {  	s0 =	sor.u32 s3, s0;
	s1 =	sshll.u32 s1, $0x11  }
0x33: {  	s0 =	sor.u32 s1, s0  }
0x34: {  	s0 =	sadd.s32 $0x8F2B, s0  }
0x35: {  	[sflag:s0] =	ssyncadd.remote.s32 $0x1  }
0x36: {  	_ =	sfence.sel $0xFFFF  }
0x37: {  	[dreg:$0x0] =	wrdreg $0xFFFFFFFF;
	(pc) =	sbr.abs _section_cstart, $3  }
0x38: {  	[dreg:$0x1] =	wrdreg $0xFFFFFFFF  }
0x39: {  	_ =	task.clear_ibuf [dreg:s7], $0x2FFFF;
	_ =	strace $0x9FFFFFFF  }
0x3a: {  	(tm) =	ssettm $0x7FFFFFFF  }
0x3b: {  	_ =	shalt  }
tec
execute0_lowered:
.L_overlay_start_1:
0x0: {  	(tag) =	ssettag $0x1  }
0x1: {  	s0 =	srdreg.scid  }
0x2: {  	s1 =	sshll.u32 s0, $0x4  }
0x3: {  	s6 =	rddreg [dreg:$0x0];
	s0 =	stileid.u32;
	s1 =	sand.u32 $0x10, s1  }
0x4: {  	s4 =	simm.s32 $0x1;
	s7 =	simm.s32 $0x2;
	s1 =	sor.u32 s0, s1  }
0x5: {  	s15 =	simm.s32 $0x0;
	s14 =	simm.s32 $0x0;
	s2 =	sshll.u32 s1, $0x7  }
0x6: {  	s16 =	simm.s32 $0x0;
	s13 =	simm.s32 $0x0;
	s1 =	ssub.s32 $0x10000, s2  }
0x7: {  	s8 =	simm.s32 $0x0;
	s9 =	simm.s32 $0x0;
	s3 =	sand.u32 $0xF80, s1  }
0x8: {  	s10 =	simm.s32 $0x0;
	s5 =	sshrl.u32 s1, $0xC;
	p0 =	sne.s32 s3, $0x0  }
.Ltmp0:
0x9: {  	s1 =	rddreg [dreg:$0x2];
	s4 =	simm.s32 @!p0 $0x0;
	(pc) =	sbr.rel .LBB1_1-.Ltmp0, $4  }
0xa: {  	s12 =	simm.s32 $0x0;
	s3 =	rddreg [dreg:$0x1];
	s5 =	sadd.s32 s4, s5  }
0xb: {  	_ =	strace $0x80000047;
	s4 =	simm.s32 $0x1;
	s5 =	smul.u32 $0xAB, s5  }
0xc: {  	s6 =	sadd.s32 $0x400, s6;
	s11 =	smov.u32 s2;
	[sflag:s4] =	ssyncpa.u1 $0x0  }
0xd: {  	p0 =	por $0x0, $0x0;
	[sflag:s7] =	ssyncpa.u1 $0x0;
	s7 =	sadd.s32 $0x1, s5  }
.LBB1_4:
0xe: {  	s19 =	sshll.u32 s15, $0x10;
	s20 =	sshll.u32 s13, $0x3  }
0xf: {  	s19 =	sand.u32 $0xFFF80000, s19;
	s21 =	sand.u32 $0xFFFFFC00, s20  }
0x10: {  	s19 =	sadd.s32 s21, s19  }
0x11: {  	s19 =	sshrl.u32 s19, $0x10  }
0x12: {  	s28 =	smul.u32 $0xAAAB, s19;
	_ =	sdelay $0x1  }
0x13: {  	s22 =	sand.u32 $0x78, s13;
	s16 =	smul.u32 $0x390000, s16;
	s21 =	sshrl.u32 s28, $0x14  }
0x14: {  	s29 =	sshll.u32 s15, $0x7;
	s20 =	sand.u32 $0xFC00, s20;
	s21 =	smul.u32 $0x18, s21  }
0x15: {  	s14 =	smul.u32 $0x30000, s14;
	s15 =	sand.u32 $0x380, s29;
	s20 =	sor.u32 s22, s20  }
0x16: {  	s16 =	sadd.s32 s3, s16;
	s15 =	sor.u32 s15, s20;
	s19 =	ssub.s32 s19, s21  }
0x17: {  	s14 =	sadd.s32 s14, s16;
	s15 =	sshrl.u32 s15, $0x3;
	s19 =	sand.u32 $0xFFFF, s19  }
0x18: {  	s14 =	sadd.s32 s15, s14;
	s30 =	sshll.u32 s19, $0xD  }
0x19: {  	[tilespmem:s18+$0x0 ss:$0x81] =	vst.msk $0xff, v0;
	s31 =	sand.u32 $0x7, s13;
	s14 =	sadd.s32 s30, s14  }
0x1a: {  	[hbm4b:s14+s31] =	stream.linear.scatter [tilespmem:s17], [sflag:$0x2], $0x400, $0x20;
	[tilespmem:$0x1010] =	vst v63  }
.LBB1_5:
0x1b: {  	s17 =	sadd.s32 $0x8, s8  }
0x1c: {  	s13 =	simm.s32 $0x1;
	p2 =	sgt.s32 s17, $0x12  }
0x1d: {  	s13 =	simm.s32 @!p2 $0x0  }
0x1e: {  	s18 =	sadd.s32 s13, s9  }
0x1f: {  	s13 =	simm.s32 $0x1;
	p3 =	sgt.s32 s18, $0x12  }
0x20: {  	s13 =	simm.s32 @!p3 $0x0  }
0x21: {  	s19 =	sadd.s32 s13, s10  }
0x22: {  	s20 =	smov.u32 s11;
	s13 =	sadd.s32 $0x1000, s11;
	p4 =	sgt.s32 s19, $0x2  }
0x23: {  	p1 =	slt.u32 s12, $0x2;
	s20 =	smov.u32 @p4 s13  }
0x24: {  	s15 =	smov.u32 s8;
	s17 =	simm.s32 @p2 $0x0;
	p2 =	sgt.s32 s20, $0xFFFF  }
0x25: {  	s21 =	simm.s32 @!p1 $0x2;
	s20 =	smov.u32 @p2 s2;
	p2 =	sne.s32 s12, s7  }
.Ltmp1:
0x26: {  	s14 =	smov.u32 s9;
	_ =	swait.ge @!p1 [sflag:s21], $0x400;
	(pc) =	sbr.rel @!p2 .LBB1_6-.Ltmp1, $4  }
0x27: {  	s16 =	smov.u32 s10;
	p0 =	por !p0, !p0;
	[sflag:s21] =	ssyncset.done @!p1 $0x0  }
0x28: {  	s8 =	smov.u32 s17;
	[sflag:s21] =	ssyncadd.s32 @!p1 $0xFFFFFC00;
	s18 =	simm.s32 @p3 $0x0  }
0x29: {  	s9 =	smov.u32 s18;
	s19 =	simm.s32 @p4 $0x0;
	s13 =	smov.u32 s11  }
0x2a: {  	s10 =	smov.u32 s19;
	s12 =	sadd.s32 $0x1, s12;
	s11 =	smov.u32 s20  }
.LBB1_1:
0x2b: {  	p1 =	sge.u32 s12, s5  }
0x2c: {  	s17 =	sshll.u32 @!p1 s9, $0x7;
	s18 =	sshll.u32 @!p1 s8, $0x3  }
0x2d: {  	s19 =	sand.u32 @!p1 $0xFFFFFC00, s17;
	s18 =	sand.u32 @!p1 $0xFFFFFC00, s18  }
0x2e: {  	s17 =	sand.u32 @!p1 $0x380, s17;
	s18 =	sadd.s32 @!p1 s19, s18  }
0x2f: {  	s17 =	sor.u32 @!p1 s17, s18  }
0x30: {  	s20 =	smul.u32 @!p1 $0x480, s11;
	s17 =	sshrl.u32 @!p1 s17, $0x7  }
0x31: {  	s18 =	smulhi.u32 @!p1 $0xAAAAAAB, s17  }
0x32: {  	s21 =	smul.u32 @!p1 $0x180, s10  }
0x33: {  	s19 =	sxor.u32 @!p1 $0xFFFFFFFF, s12;
	s18 =	smul.u32 @!p1 $0x18, s18  }
0x34: {  	s31 =	sadd.s32 $0xFFFFFFFF, s12;
	s20 =	sadd.s32 @!p1 s6, s20;
	s19 =	sshll.u32 @!p1 s19, $0xA  }
0x35: {  	s20 =	sadd.s32 @!p1 s21, s20;
	s17 =	ssub.s32 @!p1 s17, s18;
	s18 =	sshrl.u32 @!p1 s8, $0x3  }
0x36: {  	s21 =	sand.u32 @!p1 $0x7, s8;
	s19 =	sand.u32 @!p1 $0x400, s19;
	s18 =	sand.u32 @!p1 $0xF, s18  }
0x37: {  	s17 =	sshll.u32 @!p1 s17, $0x4;
	s18 =	sadd.s32 @!p1 s18, s20;
	s20 =	sshll.u32 @!p1 s21, $0x12  }
0x38: {  	s17 =	sadd.s32 @!p1 s17, s18;
	s18 =	sor.u32 @!p1 $0x8, s20;
	s20 =	simm.s32 @!p1 $0x2400  }
0x39: {  	[tilespmem:s19], [sflag:$0x1] =	stream.strided.gather @!p1 [hbm4b:s17+s18], $0x400, s20, s18, $0x38;
	[tilespmem:$0x1010] =	vst v63  }
0x3a: {  	p1 =	sge.u32 s31, s5  }
.Ltmp2:
0x3b: {  	_ = 	snop;
	(pc) =	sbr.rel @p1 .LBB1_5-.Ltmp2, $1  }
0x3c: {  	_ =	sdelay $0x3  }
0x3d: {  	s17 =	simm.s32 $0x1  }
0x3e: {  	s17 =	simm.s32 @!p0 $0x0  }
0x3f: {  	s18 =	sshll.u32 s17, $0xA  }
0x40: {  	v1 =	vmov s18;
	_ =	sdelay $0x1  }
0x41: {  	_ =	swait.ge [sflag:s4], $0x400  }
0x42: {  	s31 =	sand.u32 $0x1, s12;
	[sflag:s4] =	ssyncset.done $0x0  }
0x43: {  	s20 =	simm.s32 $0x0;
	s17 =	smul.u32 $0x1020, s17;
	[sflag:s4] =	ssyncadd.s32 $0xFFFFFC00  }
0x44: {  	s18 =	smul.u32 $0x1020, s31;
	v0 =	vld.idx.msk [tilespmem:v1+s20+$0x0 ss:$0x1], $0xff;
	_ =	sdelay $0x1  }
0x45: {  	s17 =	sshrl.u32 s17, $0x2;
	s19 =	sshrl.u32 s18, $0x2  }
0x46: {  	s18 =	sor.u32 $0x800, s17;
	s17 =	sor.u32 $0x800, s19;
	s19 =	simm.s32 $0x20  }
.LBB1_3:
0x47: {  	s20 =	sshra.s32 s19, $0x2;
	p1 =	sne.s32 s19, $0xFE0;
	s19 =	sadd.s32 $0x20, s19  }
.Ltmp3:
0x48: {  	[tilespmem:s18+$0x0 ss:$0x81] =	vst.msk $0xff, v0;
	v0 =	vld.idx.msk [tilespmem:v1+s20+$0x0 ss:$0x1], $0xff;
	(pc) =	sbr.rel @p1 .LBB1_3-.Ltmp3, $2  }
0x49: {  	_ =	sdelay $0x2  }
0x4a: {  	s18 =	sadd.s32 $0x1, s18  }
.Ltmp4:
0x4b: {  	_ = 	snop;
	(pc) =	sbr.rel .LBB1_4-.Ltmp4, $1  }
0x4c: {  	_ =	sdelay $0x3  }
.LBB1_6:
0x4d: {  	_ =	sfence.sel $0x180000  }
0x4e: {  	s2 =	simm.s32 $0x1;
	[bflag:$0x0] =	sbarrier.arrive $0xFFFF  }
0x4f: {  	s31 =	simm.s32 $0x2;
	[sflag:s2] =	ssyncpa.u1 $0x1  }
0x50: {  	[sflag:s31] =	ssyncpa.u1 $0x1  }
0x51: {  	p0 =	sne.s32 s0, $0x0;
	_ =	strace $0x90000047  }
0x52: {  	s0 =	sadd.s32 @!p0 $0x100000, s1;
	[bflag:$0x2] =	sbarrier.arrive $0xFFFF  }
0x53: {  	[sflag:s0] =	ssyncadd.tile.s32 @!p0 $0x1;
	_ =	shalt  }
.Lfunc_end1:
_tile_overlayer_lowered:
.L_overlay_start_2:
0x54: {  	(tag) =	ssettag $0x2  }
0x55: {  	s0 =	rddreg [dreg:$0x0];
	s2 =	stileid.u32  }
0x56: {  	s1 =	rddreg [dreg:$0x1];
	p0 =	sne.s32 s2, $0x0  }
0x57: {  	s3 =	rddreg [dreg:$0x2];
	[bflag:$0x3] =	sbarrier.arrive $0xFFFF;
	s2 =	simm.s32 @!p0 $0x1C01  }
0x58: {  	[timem:s3], [sflag:s2] =	dma.local @!p0 [hbm:s0], s1  }
0x59: {  	s0 =	simm.s32 @!p0 $0x1  }
0x5a: {  	_ =	swait.ge @!p0 [sflag:s0], s1  }
0x5b: {  	s1 =	ssub.s32 @!p0 $0x0, s1;
	[sflag:s0] =	ssyncset.done @!p0 $0x0  }
0x5c: {  	[sflag:s0] =	ssyncadd.s32 @!p0 s1  }
0x5d: {  	[bflag:$0x3] =	sbarrier.arrive $0xFFFF  }
0x5e: {  	_ =	shalt  }

</sc_bundles>
